<compile_context>
chip_gen: v7x
topology: tpu7x:2x2x1
jax: 0.10.2.dev20260603
libtpu: 0.0.44.dev20260713+nightly
codegen_flags: <defaults>
</compile_context>

<pallas_src>
import functools

import jax
import jax.numpy as jnp
from jax import lax
from jax.experimental import pallas as pl
from jax.experimental.pallas import tpu as pltpu
from jax.experimental.pallas import tpu_sc as plsc

_OFFSET = 2
_D = 1024
_NC = 2
_NS = 16
_NW = _NC * _NS
_LANES = 16

_CH = 32


def _make_sc_embed(B):
    b_per_w = B // _NW
    nch = b_per_w // _CH

    mesh = plsc.VectorSubcoreMesh(
        core_axis_name="c", subcore_axis_name="s",
        num_cores=_NC, num_subcores=_NS)

    @functools.partial(
        pl.kernel,
        out_type=jax.ShapeDtypeStruct((B, _D), jnp.float32),
        mesh=mesh,
        scratch_types=[
            pltpu.VMEM((nch, _CH), jnp.int32),
            pltpu.VMEM((_CH, _D), jnp.float32),
            pltpu.VMEM((_CH, _D), jnp.float32),
            pltpu.SemaphoreType.DMA,
            pltpu.SemaphoreType.DMA,
        ],
    )
    def sc_embed(pos_hbm, table_hbm, out_hbm, idx2, buf0, buf1, g0, g1):
        wid = lax.axis_index("c") * _NS + lax.axis_index("s")
        base = wid * b_per_w
        bufs = (buf0, buf1)
        gsems = (g0, g1)

        pltpu.sync_copy(pos_hbm.at[wid], idx2)

        def add_off(i, carry):
            for j in range(_CH // _LANES):
                sl = pl.ds(j * _LANES, _LANES)
                idx2[i, sl] = idx2[i, sl] + _OFFSET
            return carry
        lax.fori_loop(0, nch, add_off, 0)

        def gather(c, b):
            pltpu.async_copy(table_hbm.at[idx2.at[c]], bufs[b], gsems[b])

        def gather_wait(c, b):
            pltpu.make_async_copy(
                table_hbm.at[idx2.at[c]], bufs[b], gsems[b]).wait()

        gather(0, 0)
        gather(1, 1)

        def chunk_body(g, carry):
            for b in range(2):
                c = g * 2 + b
                gather_wait(c, b)
                pltpu.sync_copy(bufs[b], out_hbm.at[pl.ds(base + c * _CH, _CH)])

                @pl.when(c + 2 < nch)
                def _nxt():
                    gather(c + 2, b)
            return carry
        lax.fori_loop(0, nch // 2, chunk_body, 0)

    return sc_embed


def kernel(positions, weights):
    B = positions.size
    pos3 = positions.reshape(_NW, B // (_NW * _CH), _CH).astype(jnp.int32)
    out = _make_sc_embed(B)(pos3, weights)
    return out.reshape(*positions.shape, _D)

# --- scband reference (transcript-rebuilt; emitter-appended) ---
"""Pipeline reference for scband-m2-m100-sinusoidal-positional-embedding-55542517072119 (READ-ONLY COPY).

The authoritative reference and input builder live on the scoring server;
editing this copy changes nothing except your own understanding.
"""

import math
import jax, jax.numpy as jnp
import numpy as np

NUM_POSITIONS = 8192
EMBEDDING_DIM = 1024
PADDING_IDX = 1
OFFSET = 2


def _get_embedding(num_embeddings, embedding_dim, padding_idx=None):
    half_dim = embedding_dim // 2
    scale = math.log(10000) / (half_dim - 1)
    freqs = jnp.exp(jnp.arange(half_dim, dtype=jnp.float32) * -scale)
    ang = jnp.arange(num_embeddings, dtype=jnp.float32)[:, None] * freqs[None, :]
    emb = jnp.concatenate([jnp.sin(ang), jnp.cos(ang)], axis=1).reshape(num_embeddings, -1)
    if embedding_dim % 2 == 1:
        emb = jnp.concatenate([emb, jnp.zeros((num_embeddings, 1), dtype=jnp.float32)], axis=1)
    if padding_idx is not None:
        emb = emb.at[padding_idx, :].set(0.0)
    return emb


def setup_inputs(seed: int = 0) -> dict:
    key = jax.random.key(seed)
    positions = jax.random.randint(key, (4, 8192), 0, NUM_POSITIONS, dtype=jnp.int64 if jax.config.jax_enable_x64 else jnp.int32)
    weights = _get_embedding(NUM_POSITIONS + OFFSET, EMBEDDING_DIM, PADDING_IDX)
    return {"positions": positions, "weights": weights}


def reference(positions, weights):
    flat = (positions + OFFSET).reshape(-1)
    embeds = jnp.take(weights, flat, axis=0)
    return embeds.reshape(*positions.shape, EMBEDDING_DIM)

if __name__ == "__main__":
    import jax
    _d = setup_inputs()
    print(jax.jit(kernel)(*tuple(_d.values())))

</pallas_src>

<mosaic_0001>
#map = affine_map<(d0, d1) -> (0, 0, 0)>
#map1 = affine_map<(d0, d1) -> (0, 0)>
module attributes {stable_mosaic.version = 14 : i64} {
  func.func @sc_embed(%arg0: i32, %arg1: i32, %arg2: memref<32x32x32xi32, #tpu.memory_space<hbm>>, %arg3: memref<8194x1024xf32, #tpu.memory_space<hbm>>, %arg4: memref<32768x1024xf32, #tpu.memory_space<hbm>>, %arg5: memref<32x32xi32, #tpu.memory_space<vmem>>, %arg6: memref<32x1024xf32, #tpu.memory_space<vmem>>, %arg7: memref<32x1024xf32, #tpu.memory_space<vmem>>, %arg8: memref<!tpu.dma_semaphore, #tpu.memory_space<semaphore_mem>>, %arg9: memref<!tpu.dma_semaphore, #tpu.memory_space<semaphore_mem>>) attributes {dimension_semantics = [#tpu.dimension_semantics<core_parallel>, #tpu.dimension_semantics<subcore_parallel>], iteration_bounds = array<i64: 2, 16>, scalar_prefetch = 0 : i64, scratch_operands = 5 : i64, tpu.core_type = #tpu.core_type<sc_vector_subcore>, window_params = [{transform_indices = #map}, {transform_indices = #map1}, {transform_indices = #map1}]} {
    %mul3A = arith.constant 16 : i32
    %mul3A_0 = arith.muli %arg0, %mul3A : i32
    %add3A = arith.addi %mul3A_0, %arg1 : i32
    %mul3A_1 = arith.constant 1024 : i32
    %mul3A_2 = arith.muli %add3A, %mul3A_1 : i32
    "tpu.region"() ({
      %run_scoped3A = tpu.sem_alloc : memref<!tpu.dma_semaphore, #tpu.memory_space<semaphore_mem>>
      %dma_start3A_27 = arith.constant 0 : i32
      %dma_start3A_28 = arith.constant 0 : i32
      %dma_start3A_29 = tpu.memref_slice %arg2[%add3A, %dma_start3A_27, %dma_start3A_28] : memref<32x32x32xi32, #tpu.memory_space<hbm>> -> memref<1x32x32xi32, #tpu.memory_space<hbm>>
      %dma_start3A_30 = tpu.memref_squeeze %dma_start3A_29 : memref<1x32x32xi32, #tpu.memory_space<hbm>> -> memref<32x32xi32, #tpu.memory_space<hbm>>
      %dma_start3A_31 = arith.constant 0 : i32
      %dma_start3A_32 = arith.constant 0 : i32
      %dma_start3A_33 = tpu.memref_slice %arg2[%add3A, %dma_start3A_31, %dma_start3A_32] : memref<32x32x32xi32, #tpu.memory_space<hbm>> -> memref<1x32x32xi32, #tpu.memory_space<hbm>>
      %dma_start3A_34 = tpu.memref_squeeze %dma_start3A_33 : memref<1x32x32xi32, #tpu.memory_space<hbm>> -> memref<32x32xi32, #tpu.memory_space<hbm>>
      tpu.enqueue_dma source(%dma_start3A_34 : memref<32x32xi32, #tpu.memory_space<hbm>>) target(%arg5 : memref<32x32xi32, #tpu.memory_space<vmem>>) target_semaphore(%run_scoped3A : memref<!tpu.dma_semaphore, #tpu.memory_space<semaphore_mem>>)
      %dma_wait3A = arith.constant 0 : i32
      %dma_wait3A_35 = arith.constant 0 : i32
      %dma_wait3A_36 = tpu.memref_slice %arg2[%add3A, %dma_wait3A, %dma_wait3A_35] : memref<32x32x32xi32, #tpu.memory_space<hbm>> -> memref<1x32x32xi32, #tpu.memory_space<hbm>>
      %dma_wait3A_37 = tpu.memref_squeeze %dma_wait3A_36 : memref<1x32x32xi32, #tpu.memory_space<hbm>> -> memref<32x32xi32, #tpu.memory_space<hbm>>
      %dma_wait3A_38 = arith.constant 0 : i32
      %dma_wait3A_39 = arith.constant 0 : i32
      %dma_wait3A_40 = tpu.memref_slice %arg2[%add3A, %dma_wait3A_38, %dma_wait3A_39] : memref<32x32x32xi32, #tpu.memory_space<hbm>> -> memref<1x32x32xi32, #tpu.memory_space<hbm>>
      %dma_wait3A_41 = tpu.memref_squeeze %dma_wait3A_40 : memref<1x32x32xi32, #tpu.memory_space<hbm>> -> memref<32x32xi32, #tpu.memory_space<hbm>>
      tpu.wait_dma2 semaphore(%run_scoped3A : memref<!tpu.dma_semaphore, #tpu.memory_space<semaphore_mem>>) src(%dma_wait3A_41 : memref<32x32xi32, #tpu.memory_space<hbm>>) dst(%arg5 : memref<32x32xi32, #tpu.memory_space<vmem>>)
      tpu.yield
    }) : () -> ()
    %scan3A = arith.constant 0 : i32
    %scan3A_3 = arith.constant 0 : i32
    %scan3A_4 = arith.constant 32 : i32
    %scan3A_5 = arith.addi %scan3A_3, %scan3A_4 : i32
    %scan3A_6 = arith.constant 1 : i32
    scf.for %scan3A_27 = %scan3A_3 to %scan3A_5 step %scan3A_6  : i32 {
      %get3A = arith.index_cast %scan3A_27 : i32 to index
      %get3A_28 = arith.constant 0 : index
      %get3A_29 = tpu.vector_load %arg5[%get3A, %get3A_28] {strides = array<i32>} : memref<32x32xi32, #tpu.memory_space<vmem>>, vector<1x16xi32>,
      %get3A_30 = vector.shape_cast %get3A_29 : vector<1x16xi32> to vector<16xi32>
      %add3A_31 = arith.constant 2 : i32
      %add3A_32 = vector.broadcast %add3A_31 : i32 to vector<16xi32>
      %add3A_33 = arith.addi %get3A_30, %add3A_32 : vector<16xi32>
      %swap3A = arith.index_cast %scan3A_27 : i32 to index
      %swap3A_34 = arith.constant 0 : index
      %swap3A_35 = tpu.vector_load %arg5[%swap3A, %swap3A_34] {strides = array<i32>} : memref<32x32xi32, #tpu.memory_space<vmem>>, vector<1x16xi32>,
      %swap3A_36 = vector.shape_cast %swap3A_35 : vector<1x16xi32> to vector<16xi32>
      %swap3A_37 = vector.shape_cast %add3A_33 : vector<16xi32> to vector<1x16xi32>
      tpu.vector_store %arg5[%swap3A, %swap3A_34], %swap3A_37 {strides = array<i32>} : memref<32x32xi32, #tpu.memory_space<vmem>>, vector<1x16xi32>,
      %get3A_38 = arith.index_cast %scan3A_27 : i32 to index
      %get3A_39 = arith.constant 16 : index
      %get3A_40 = tpu.vector_load %arg5[%get3A_38, %get3A_39] {strides = array<i32>} : memref<32x32xi32, #tpu.memory_space<vmem>>, vector<1x16xi32>,
      %get3A_41 = vector.shape_cast %get3A_40 : vector<1x16xi32> to vector<16xi32>
      %add3A_42 = arith.constant 2 : i32
      %add3A_43 = vector.broadcast %add3A_42 : i32 to vector<16xi32>
      %add3A_44 = arith.addi %get3A_41, %add3A_43 : vector<16xi32>
      %swap3A_45 = arith.index_cast %scan3A_27 : i32 to index
      %swap3A_46 = arith.constant 16 : index
      %swap3A_47 = tpu.vector_load %arg5[%swap3A_45, %swap3A_46] {strides = array<i32>} : memref<32x32xi32, #tpu.memory_space<vmem>>, vector<1x16xi32>,
      %swap3A_48 = vector.shape_cast %swap3A_47 : vector<1x16xi32> to vector<16xi32>
      %swap3A_49 = vector.shape_cast %add3A_44 : vector<16xi32> to vector<1x16xi32>
      tpu.vector_store %arg5[%swap3A_45, %swap3A_46], %swap3A_49 {strides = array<i32>} : memref<32x32xi32, #tpu.memory_space<vmem>>, vector<1x16xi32>,
    }
    %scan3A_7 = arith.constant 32 : i32
    %dma_start3A = arith.constant 0 : i32
    %dma_start3A_8 = arith.constant 0 : i32
    %dma_start3A_9 = tpu.memref_slice %arg5[%dma_start3A, %dma_start3A_8] : memref<32x32xi32, #tpu.memory_space<vmem>> -> memref<1x32xi32, #tpu.memory_space<vmem>>
    %dma_start3A_10 = tpu.memref_squeeze %dma_start3A_9 : memref<1x32xi32, #tpu.memory_space<vmem>> -> memref<32xi32, #tpu.memory_space<vmem>>
    %dma_start3A_11 = arith.constant 0 : i32
    %dma_start3A_12 = arith.constant 0 : i32
    %dma_start3A_13 = tpu.memref_slice %arg3[%dma_start3A_11, %dma_start3A_12] : memref<8194x1024xf32, #tpu.memory_space<hbm>> -> memref<8194x1024xf32, #tpu.memory_space<hbm>>
    tpu.enqueue_indirect_dma source(%dma_start3A_13 : memref<8194x1024xf32, #tpu.memory_space<hbm>>) target(%arg6 : memref<32x1024xf32, #tpu.memory_space<vmem>>) offsets(%dma_start3A_10 : memref<32xi32, #tpu.memory_space<vmem>>) semaphore(%arg8 : memref<!tpu.dma_semaphore, #tpu.memory_space<semaphore_mem>>)
    %dma_start3A_14 = arith.constant 1 : i32
    %dma_start3A_15 = arith.constant 0 : i32
    %dma_start3A_16 = tpu.memref_slice %arg5[%dma_start3A_14, %dma_start3A_15] : memref<32x32xi32, #tpu.memory_space<vmem>> -> memref<1x32xi32, #tpu.memory_space<vmem>>
    %dma_start3A_17 = tpu.memref_squeeze %dma_start3A_16 : memref<1x32xi32, #tpu.memory_space<vmem>> -> memref<32xi32, #tpu.memory_space<vmem>>
    %dma_start3A_18 = arith.constant 0 : i32
    %dma_start3A_19 = arith.constant 0 : i32
    %dma_start3A_20 = tpu.memref_slice %arg3[%dma_start3A_18, %dma_start3A_19] : memref<8194x1024xf32, #tpu.memory_space<hbm>> -> memref<8194x1024xf32, #tpu.memory_space<hbm>>
    tpu.enqueue_indirect_dma source(%dma_start3A_20 : memref<8194x1024xf32, #tpu.memory_space<hbm>>) target(%arg7 : memref<32x1024xf32, #tpu.memory_space<vmem>>) offsets(%dma_start3A_17 : memref<32xi32, #tpu.memory_space<vmem>>) semaphore(%arg9 : memref<!tpu.dma_semaphore, #tpu.memory_space<semaphore_mem>>)
    %scan3A_21 = arith.constant 0 : i32
    %scan3A_22 = arith.constant 0 : i32
    %scan3A_23 = arith.constant 16 : i32
    %scan3A_24 = arith.addi %scan3A_22, %scan3A_23 : i32
    %scan3A_25 = arith.constant 1 : i32
    scf.for %scan3A_27 = %scan3A_22 to %scan3A_24 step %scan3A_25  : i32 {
      %mul3A_28 = arith.constant 2 : i32
      %mul3A_29 = arith.muli %scan3A_27, %mul3A_28 : i32
      %add3A_30 = arith.constant 0 : i32
      %add3A_31 = arith.addi %mul3A_29, %add3A_30 : i32
      %dma_wait3A = arith.constant 0 : i32
      %dma_wait3A_32 = tpu.memref_slice %arg5[%add3A_31, %dma_wait3A] : memref<32x32xi32, #tpu.memory_space<vmem>> -> memref<1x32xi32, #tpu.memory_space<vmem>>
      %dma_wait3A_33 = tpu.memref_squeeze %dma_wait3A_32 : memref<1x32xi32, #tpu.memory_space<vmem>> -> memref<32xi32, #tpu.memory_space<vmem>>
      %dma_wait3A_34 = arith.constant 0 : i32
      %dma_wait3A_35 = arith.constant 0 : i32
      %dma_wait3A_36 = tpu.memref_slice %arg3[%dma_wait3A_34, %dma_wait3A_35] : memref<8194x1024xf32, #tpu.memory_space<hbm>> -> memref<8194x1024xf32, #tpu.memory_space<hbm>>
      tpu.wait_indirect_dma semaphore(%arg8 : memref<!tpu.dma_semaphore, #tpu.memory_space<semaphore_mem>>) src(%dma_wait3A_36 : memref<8194x1024xf32, #tpu.memory_space<hbm>>) dst(%arg6 : memref<32x1024xf32, #tpu.memory_space<vmem>>)
      %mul3A_37 = arith.constant 32 : i32
      %mul3A_38 = arith.muli %add3A_31, %mul3A_37 : i32
      %add3A_39 = arith.addi %mul3A_2, %mul3A_38 : i32
      "tpu.region"() ({
        %run_scoped3A = tpu.sem_alloc : memref<!tpu.dma_semaphore, #tpu.memory_space<semaphore_mem>>
        %dma_start3A_64 = arith.constant 0 : i32
        %dma_start3A_65 = tpu.memref_slice %arg4[%add3A_39, %dma_start3A_64] : memref<32768x1024xf32, #tpu.memory_space<hbm>> -> memref<32x1024xf32, #tpu.memory_space<hbm>>
        %dma_start3A_66 = arith.constant 0 : i32
        %dma_start3A_67 = tpu.memref_slice %arg4[%add3A_39, %dma_start3A_66] : memref<32768x1024xf32, #tpu.memory_space<hbm>> -> memref<32x1024xf32, #tpu.memory_space<hbm>>
        tpu.enqueue_dma source(%arg6 : memref<32x1024xf32, #tpu.memory_space<vmem>>) target(%dma_start3A_67 : memref<32x1024xf32, #tpu.memory_space<hbm>>) target_semaphore(%run_scoped3A : memref<!tpu.dma_semaphore, #tpu.memory_space<semaphore_mem>>)
        %dma_wait3A_68 = arith.constant 0 : i32
        %dma_wait3A_69 = tpu.memref_slice %arg4[%add3A_39, %dma_wait3A_68] : memref<32768x1024xf32, #tpu.memory_space<hbm>> -> memref<32x1024xf32, #tpu.memory_space<hbm>>
        %dma_wait3A_70 = arith.constant 0 : i32
        %dma_wait3A_71 = tpu.memref_slice %arg4[%add3A_39, %dma_wait3A_70] : memref<32768x1024xf32, #tpu.memory_space<hbm>> -> memref<32x1024xf32, #tpu.memory_space<hbm>>
        tpu.wait_dma2 semaphore(%run_scoped3A : memref<!tpu.dma_semaphore, #tpu.memory_space<semaphore_mem>>) src(%arg6 : memref<32x1024xf32, #tpu.memory_space<vmem>>) dst(%dma_wait3A_71 : memref<32x1024xf32, #tpu.memory_space<hbm>>)
        tpu.yield
      }) : () -> ()
      %add3A_40 = arith.constant 2 : i32
      %add3A_41 = arith.addi %add3A_31, %add3A_40 : i32
      %lt3A = arith.constant 32 : i32
      %lt3A_42 = arith.cmpi slt, %add3A_41, %lt3A : i32
      %convert_element_type3A = arith.extui %lt3A_42 : i1 to i32
      %cond3A = arith.constant 0 : i32
      %cond3A_43 = arith.cmpi ne, %convert_element_type3A, %cond3A : i32
      scf.if %cond3A_43 {
        %add3A_64 = arith.constant 2 : i32
        %add3A_65 = arith.addi %add3A_31, %add3A_64 : i32
        %dma_start3A_66 = arith.constant 0 : i32
        %dma_start3A_67 = tpu.memref_slice %arg5[%add3A_65, %dma_start3A_66] : memref<32x32xi32, #tpu.memory_space<vmem>> -> memref<1x32xi32, #tpu.memory_space<vmem>>
        %dma_start3A_68 = tpu.memref_squeeze %dma_start3A_67 : memref<1x32xi32, #tpu.memory_space<vmem>> -> memref<32xi32, #tpu.memory_space<vmem>>
        %dma_start3A_69 = arith.constant 0 : i32
        %dma_start3A_70 = arith.constant 0 : i32
        %dma_start3A_71 = tpu.memref_slice %arg3[%dma_start3A_69, %dma_start3A_70] : memref<8194x1024xf32, #tpu.memory_space<hbm>> -> memref<8194x1024xf32, #tpu.memory_space<hbm>>
        tpu.enqueue_indirect_dma source(%dma_start3A_71 : memref<8194x1024xf32, #tpu.memory_space<hbm>>) target(%arg6 : memref<32x1024xf32, #tpu.memory_space<vmem>>) offsets(%dma_start3A_68 : memref<32xi32, #tpu.memory_space<vmem>>) semaphore(%arg8 : memref<!tpu.dma_semaphore, #tpu.memory_space<semaphore_mem>>)
      } else {
      }
      %mul3A_44 = arith.constant 2 : i32
      %mul3A_45 = arith.muli %scan3A_27, %mul3A_44 : i32
      %add3A_46 = arith.constant 1 : i32
      %add3A_47 = arith.addi %mul3A_45, %add3A_46 : i32
      %dma_wait3A_48 = arith.constant 0 : i32
      %dma_wait3A_49 = tpu.memref_slice %arg5[%add3A_47, %dma_wait3A_48] : memref<32x32xi32, #tpu.memory_space<vmem>> -> memref<1x32xi32, #tpu.memory_space<vmem>>
      %dma_wait3A_50 = tpu.memref_squeeze %dma_wait3A_49 : memref<1x32xi32, #tpu.memory_space<vmem>> -> memref<32xi32, #tpu.memory_space<vmem>>
      %dma_wait3A_51 = arith.constant 0 : i32
      %dma_wait3A_52 = arith.constant 0 : i32
      %dma_wait3A_53 = tpu.memref_slice %arg3[%dma_wait3A_51, %dma_wait3A_52] : memref<8194x1024xf32, #tpu.memory_space<hbm>> -> memref<8194x1024xf32, #tpu.memory_space<hbm>>
      tpu.wait_indirect_dma semaphore(%arg9 : memref<!tpu.dma_semaphore, #tpu.memory_space<semaphore_mem>>) src(%dma_wait3A_53 : memref<8194x1024xf32, #tpu.memory_space<hbm>>) dst(%arg7 : memref<32x1024xf32, #tpu.memory_space<vmem>>)
      %mul3A_54 = arith.constant 32 : i32
      %mul3A_55 = arith.muli %add3A_47, %mul3A_54 : i32
      %add3A_56 = arith.addi %mul3A_2, %mul3A_55 : i32
      "tpu.region"() ({
        %run_scoped3A = tpu.sem_alloc : memref<!tpu.dma_semaphore, #tpu.memory_space<semaphore_mem>>
        %dma_start3A_64 = arith.constant 0 : i32
        %dma_start3A_65 = tpu.memref_slice %arg4[%add3A_56, %dma_start3A_64] : memref<32768x1024xf32, #tpu.memory_space<hbm>> -> memref<32x1024xf32, #tpu.memory_space<hbm>>
        %dma_start3A_66 = arith.constant 0 : i32
        %dma_start3A_67 = tpu.memref_slice %arg4[%add3A_56, %dma_start3A_66] : memref<32768x1024xf32, #tpu.memory_space<hbm>> -> memref<32x1024xf32, #tpu.memory_space<hbm>>
        tpu.enqueue_dma source(%arg7 : memref<32x1024xf32, #tpu.memory_space<vmem>>) target(%dma_start3A_67 : memref<32x1024xf32, #tpu.memory_space<hbm>>) target_semaphore(%run_scoped3A : memref<!tpu.dma_semaphore, #tpu.memory_space<semaphore_mem>>)
        %dma_wait3A_68 = arith.constant 0 : i32
        %dma_wait3A_69 = tpu.memref_slice %arg4[%add3A_56, %dma_wait3A_68] : memref<32768x1024xf32, #tpu.memory_space<hbm>> -> memref<32x1024xf32, #tpu.memory_space<hbm>>
        %dma_wait3A_70 = arith.constant 0 : i32
        %dma_wait3A_71 = tpu.memref_slice %arg4[%add3A_56, %dma_wait3A_70] : memref<32768x1024xf32, #tpu.memory_space<hbm>> -> memref<32x1024xf32, #tpu.memory_space<hbm>>
        tpu.wait_dma2 semaphore(%run_scoped3A : memref<!tpu.dma_semaphore, #tpu.memory_space<semaphore_mem>>) src(%arg7 : memref<32x1024xf32, #tpu.memory_space<vmem>>) dst(%dma_wait3A_71 : memref<32x1024xf32, #tpu.memory_space<hbm>>)
        tpu.yield
      }) : () -> ()
      %add3A_57 = arith.constant 2 : i32
      %add3A_58 = arith.addi %add3A_47, %add3A_57 : i32
      %lt3A_59 = arith.constant 32 : i32
      %lt3A_60 = arith.cmpi slt, %add3A_58, %lt3A_59 : i32
      %convert_element_type3A_61 = arith.extui %lt3A_60 : i1 to i32
      %cond3A_62 = arith.constant 0 : i32
      %cond3A_63 = arith.cmpi ne, %convert_element_type3A_61, %cond3A_62 : i32
      scf.if %cond3A_63 {
        %add3A_64 = arith.constant 2 : i32
        %add3A_65 = arith.addi %add3A_47, %add3A_64 : i32
        %dma_start3A_66 = arith.constant 0 : i32
        %dma_start3A_67 = tpu.memref_slice %arg5[%add3A_65, %dma_start3A_66] : memref<32x32xi32, #tpu.memory_space<vmem>> -> memref<1x32xi32, #tpu.memory_space<vmem>>
        %dma_start3A_68 = tpu.memref_squeeze %dma_start3A_67 : memref<1x32xi32, #tpu.memory_space<vmem>> -> memref<32xi32, #tpu.memory_space<vmem>>
        %dma_start3A_69 = arith.constant 0 : i32
        %dma_start3A_70 = arith.constant 0 : i32
        %dma_start3A_71 = tpu.memref_slice %arg3[%dma_start3A_69, %dma_start3A_70] : memref<8194x1024xf32, #tpu.memory_space<hbm>> -> memref<8194x1024xf32, #tpu.memory_space<hbm>>
        tpu.enqueue_indirect_dma source(%dma_start3A_71 : memref<8194x1024xf32, #tpu.memory_space<hbm>>) target(%arg7 : memref<32x1024xf32, #tpu.memory_space<vmem>>) offsets(%dma_start3A_68 : memref<32xi32, #tpu.memory_space<vmem>>) semaphore(%arg9 : memref<!tpu.dma_semaphore, #tpu.memory_space<semaphore_mem>>)
      } else {
      }
    }
    %scan3A_26 = arith.constant 16 : i32
    return
  }
}

</mosaic_0001>

<sc_bundles>
// kernel: kernel.3.cloned.1.call-start
scs
__scs_entry_jumppad:
0x0: {  	(pc) =	sbr.rel $0x88, $3  }
0x1: {  	(tag) =	ssettag $0x0;
	lr =	simm.s32 $0x1  }
0x2: {  	[smem:$0x3F9F] =	sst lr;
	_ =	strace $0xD0000000  }
0x3: {  	_ = 	snop  }
0x4: {  	_ = 	snop  }
0x5: {  	_ = 	snop  }
0x6: {  	_ = 	snop  }
0x7: {  	_ = 	snop  }
__scs_overlays_trampoline_lowered:
0x8: {  	[smem:$0x3FAE] =	sst s0  }
0x9: {  	[smem:$0x3FAF] =	sst s1  }
0xa: {  	[smem:$0x3FB0] =	sst s2  }
0xb: {  	[smem:$0x3FB1] =	sst s3  }
0xc: {  	[smem:$0x3FB2] =	sst s4  }
0xd: {  	[smem:$0x3FB3] =	sst s5  }
0xe: {  	[smem:$0x3FB4] =	sst s6  }
0xf: {  	[smem:$0x3FB5] =	sst s7  }
0x10: {  	[smem:$0x3FB6] =	sst s8  }
0x11: {  	[smem:$0x3FB7] =	sst s9;
	s0 =	simm.s32 @!p0 $0x0  }
0x12: {  	s1 =	sld [smem:$0x3F9D];
	s0 =	simm.s32 @p0 $0x1  }
0x13: {  	[smem:$0x3FB8] =	sst s0;
	s0 =	simm.s32 @!p1 $0x0  }
0x14: {  	s2 =	sld [smem:$0x3F9C];
	s0 =	simm.s32 @p1 $0x1  }
0x15: {  	[smem:$0x3FB9] =	sst s0;
	s0 =	simm.s32 @!p2 $0x0  }
0x16: {  	s3 =	sld [smem:$0x3FDB];
	s0 =	simm.s32 @p2 $0x1  }
0x17: {  	s4 =	simm.s32 $0x1BF5;
	[smem:$0x3FBB] =	sst s0  }
0x18: {  	s0 =	sld [smem:$0x3F9E];
	_ =	swait.ge [sflag:s4], $0x0  }
0x19: {  	s7 =	sld [smem:$0x3F9F]  }
0x1a: {  	s8 =	sadd.s32 $0xFFFFE003, lr  }
0x1b: {  	s9 =	sadd.s32 $0xFFFFFEF7, lr;
	s5 =	simm.s32 $0xFFFFFFFF;
	p2 =	slt.u32 s8, $0xFFFFF086  }
0x1c: {  	p1 =	slt.u32 s9, $0xF7A;
	s5 =	simm.s32 @!p2 $0x0  }
0x1d: {  	s5 =	simm.s32 @p1 $0x1;
	p0 =	seq.s32 s7, s2  }
0x1e: {  	s7 =	smul.u32 @!p0 $0xF7A, s2;
	p2 =	seq.s32 @!p0 s5, $0x0  }
0x1f: {  	s9 =	smul.u32 $0xF7A, s1;
	s8 =	simm.s32 @!p0 $0x1BF5;
	p2 =	por !p2, p0  }
0x20: {  	[sflag:s8] =	ssyncset.s32 @!p0 $0xFFFFF086;
	s6 =	sadd.s32 @!p0 s3, s7;
	s7 =	simm.s32 @!p0 $0x108  }
0x21: {  	s3 =	sadd.s32 s3, s9;
	s6 =	sadd.s32 @!p0 $0x88, s6;
	s7 =	simm.s32 @p2 $0x1082  }
0x22: {  	[simem:s7], [sflag:s8] =	dma.local @!p0 [hbm:s6], $0xF7A  }
0x23: {  	s9 =	sor.u32 $0xD0000000, s2;
	s6 =	simm.s32 $0x108;
	_ =	swait.ge @!p0 [sflag:s8], $0x0  }
0x24: {  	s3 =	sadd.s32 $0x88, s3;
	s6 =	simm.s32 @!p1 $0x1082;
	[sflag:s4] =	ssyncset.s32 $0xFFFFF086  }
0x25: {  	[simem:s6], [sflag:s4] =	dma.local [hbm:s3], $0xF7A  }
0x26: {  	[smem:$0x3F9F] =	sst s1;
	(tag) =	ssettag s2;
	_ =	strace s9  }
0x27: {  	s1 =	sld [smem:$0x3FAF]  }
0x28: {  	s2 =	sld [smem:$0x3FB0]  }
0x29: {  	s4 =	sld [smem:$0x3FB2]  }
0x2a: {  	p0 =	seq.s32 s5, $0x0;
	s5 =	sld [smem:$0x3FB3]  }
0x2b: {  	s6 =	sld [smem:$0x3FB4]  }
0x2c: {  	s7 =	sld [smem:$0x3FB5]  }
0x2d: {  	s3 =	simm.s32 $0x108;
	s8 =	sld [smem:$0x3FB6]  }
0x2e: {  	s3 =	simm.s32 @!p0 $0x1082;
	s9 =	sld [smem:$0x3FB7]  }
0x2f: {  	lr =	sadd.s32 s0, s3;
	s0 =	sld [smem:$0x3FAE]  }
0x30: {  	s3 =	sld [smem:$0x3FB1]  }
0x31: {  	[smem:$0x3FBA] =	sst s10  }
0x32: {  	s10 =	sld [smem:$0x3FB8];
	_ =	sdelay $0x3  }
0x33: {  	p0 =	seq.s32 s10, $0x1;
	s10 =	sld [smem:$0x3FBA];
	_ =	sdelay $0x3  }
0x34: {  	[smem:$0x3FBA] =	sst s10  }
0x35: {  	s10 =	sld [smem:$0x3FB9];
	_ =	sdelay $0x3  }
0x36: {  	p1 =	seq.s32 s10, $0x1;
	s10 =	sld [smem:$0x3FBA];
	_ =	sdelay $0x3  }
0x37: {  	[smem:$0x3FBA] =	sst s10  }
0x38: {  	s10 =	sld [smem:$0x3FBB]  }
0x39: {  	_ = 	snop;
	(pc) =	sbr.ind lr, $3  }
0x3a: {  	_ = 	snop  }
0x3b: {  	_ = 	snop  }
0x3c: {  	p2 =	seq.s32 s10, $0x1;
	s10 =	sld [smem:$0x3FBA]  }
0x3d: {  	_ =	shalt  }
0x3e: {  	_ =	shalt  }
0x3f: {  	_ =	shalt  }
0x40: {  	_ =	shalt  }
0x41: {  	_ =	shalt  }
0x42: {  	_ =	shalt  }
0x43: {  	_ =	shalt  }
0x44: {  	_ =	shalt  }
0x45: {  	_ =	shalt  }
0x46: {  	_ =	shalt  }
0x47: {  	_ =	shalt  }
0x48: {  	_ =	shalt  }
0x49: {  	_ =	shalt  }
0x4a: {  	_ =	shalt  }
0x4b: {  	_ =	shalt  }
0x4c: {  	_ =	shalt  }
0x4d: {  	_ =	shalt  }
0x4e: {  	_ =	shalt  }
0x4f: {  	_ =	shalt  }
0x50: {  	_ =	shalt  }
0x51: {  	_ =	shalt  }
0x52: {  	_ =	shalt  }
0x53: {  	_ =	shalt  }
0x54: {  	_ =	shalt  }
0x55: {  	_ =	shalt  }
0x56: {  	_ =	shalt  }
0x57: {  	_ =	shalt  }
0x58: {  	_ =	shalt  }
0x59: {  	_ =	shalt  }
0x5a: {  	_ =	shalt  }
0x5b: {  	_ =	shalt  }
0x5c: {  	_ =	shalt  }
0x5d: {  	_ =	shalt  }
0x5e: {  	_ =	shalt  }
0x5f: {  	_ =	shalt  }
0x60: {  	_ =	shalt  }
0x61: {  	_ =	shalt  }
0x62: {  	_ =	shalt  }
0x63: {  	_ =	shalt  }
0x64: {  	_ =	shalt  }
0x65: {  	_ =	shalt  }
0x66: {  	_ =	shalt  }
0x67: {  	_ =	shalt  }
0x68: {  	_ =	shalt  }
0x69: {  	_ =	shalt  }
0x6a: {  	_ =	shalt  }
0x6b: {  	_ =	shalt  }
0x6c: {  	_ =	shalt  }
0x6d: {  	_ =	shalt  }
0x6e: {  	_ =	shalt  }
0x6f: {  	_ =	shalt  }
0x70: {  	_ =	shalt  }
0x71: {  	_ =	shalt  }
0x72: {  	_ =	shalt  }
0x73: {  	_ =	shalt  }
0x74: {  	_ =	shalt  }
0x75: {  	_ =	shalt  }
0x76: {  	_ =	shalt  }
0x77: {  	_ =	shalt  }
0x78: {  	_ =	shalt  }
0x79: {  	_ =	shalt  }
0x7a: {  	_ =	shalt  }
0x7b: {  	_ =	shalt  }
0x7c: {  	_ =	shalt  }
0x7d: {  	_ =	shalt  }
0x7e: {  	_ =	shalt  }
0x7f: {  	_ =	shalt  }
0x80: {  	_ =	shalt  }
0x81: {  	_ =	shalt  }
0x82: {  	_ =	shalt  }
0x83: {  	_ =	shalt  }
0x84: {  	_ =	shalt  }
0x85: {  	_ =	shalt  }
0x86: {  	_ =	shalt  }
0x87: {  	_ =	shalt  }
.Lfunc_end0:
.L_simem_size_0:
called_computation_lowered:
.L_overlay_start_0:
0x88: {  	s2 =	sld [smem:$0x3FD9]  }
0x89: {  	s3 =	sld [smem:$0x3FFE];
	_ =	sdelay $0x1  }
0x8a: {  	s1 =	srdreg.scid  }
0x8b: {  	s0 =	sand.u32 $0x1, s1  }
0x8c: {  	s17 =	sshll.u32 s0, $0xA;
	s2 =	sadd.s32 s3, s2  }
0x8d: {  	s2 =	sadd.s32 s2, s17  }
0x8e: {  	[smem:$0x3FC6] =	sst s2  }
0x8f: {  	_ = 	snop  }
0x90: {  	s2 =	sld [smem:$0x3FC8]  }
0x91: {  	s18 =	sld [smem:$0x3FD0];
	(tm) =	ssettm $0x1  }
0x92: {  	s4 =	sld [smem:$0x3FFB];
	_ =	sdelay $0x3  }
0x93: {  	_ =	strace s4  }
0x94: {  	s4 =	sld [smem:$0x3FFC];
	_ =	sdelay $0x3  }
0x95: {  	_ =	strace s4  }
0x96: {  	s4 =	sld [smem:$0x3FFD];
	_ =	sdelay $0x3  }
0x97: {  	_ =	strace s4  }
0x98: {  	_ =	strace $0x8FFFFFFF  }
0x99: {  	s19 =	sld [smem:$0x3FDB];
	_ =	sdelay $0x1  }
0x9a: {  	s5 =	simm.s32 $_scs_section_size  }
0x9b: {  	s6 =	simm.s32 $_size__tile_overlayer_lowered;
	s7 =	simm.s32 $_tile_overlayer_lowered  }
0x9c: {  	s22 =	simm.s32 $0x1BFF;
	s21 =	sshll.u32 s7, $0x1;
	s4 =	sadd.s32 s5, s19  }
0x9d: {  	s8 =	simm.s32 $0x0;
	s20 =	sshll.u32 s6, $0x1;
	s6 =	sadd.s32 s21, s4  }
0x9e: {  	[timem:s8], [sflag:s22] =	dma.local [hbm:s6], s20  }
0x9f: {  	_ =	swait.ge [sflag:s22], s20  }
0xa0: {  	s5 =	ssub.s32 $0x0, s20;
	[sflag:s22] =	ssyncset.done $0x0  }
0xa1: {  	[sflag:s22] =	ssyncadd.s32 s5;
	_ =	sdelay $0x1  }
0xa2: {  	s23 =	simm.s32 $0x1B8B  }
0xa3: {  	_ =	swait.ge [sflag:s23], $0x1  }
0xa4: {  	[sflag:s23] =	ssyncset.done $0x0  }
0xa5: {  	s25 =	simm.s32 $0x1B8E;
	s24 =	sld [smem:$0x3FFE];
	[sflag:s23] =	ssyncadd.s32 $0xFFFFFFFF  }
0xa6: {  	s26 =	simm.s32 $execute0_lowered;
	[smem:$0x3FD2] =	sst s25  }
0xa7: {  	s6 =	sshll.u32 s26, $0x1;
	_ =	strace $0x80000046;
	[dreg:$0x1] =	wrdreg $0xFFFFFFFF  }
0xa8: {  	s28 =	simm.s32 $_size_execute0_lowered;
	s4 =	sadd.s32 s4, s6;
	[dreg:$0x0] =	wrdreg $0x0  }
0xa9: {  	s6 =	sshll.u32 s28, $0x1;
	[dreg:$0x2] =	wrdreg s4  }
0xaa: {  	[dreg:$0x3] =	wrdreg s6  }
0xab: {  	[dreg:$0x4] =	wrdreg $0xC0  }
0xac: {  	_ =	task [dreg:s8], $0x5FFFF  }
0xad: {  	[dreg:$0x1] =	wrdreg $0xFFFFFFFF  }
0xae: {  	[dreg:$0x0] =	wrdreg $0x60  }
0xaf: {  	[dreg:$0x2] =	wrdreg s24  }
0xb0: {  	[dreg:$0x3] =	wrdreg s2  }
0xb1: {  	[dreg:$0x4] =	wrdreg s18  }
0xb2: {  	[dreg:$0x5] =	wrdreg $0x9  }
0xb3: {  	_ =	task.clear_ibuf [dreg:s8], $0x6FFFF;
	_ =	strace $0x90000046  }
0xb4: {  	s29 =	simm.s32 $0x9;
	_ =	strace $0x80000048  }
0xb5: {  	_ =	swait.ge [sflag:s29], $0x1  }
0xb6: {  	[sflag:s29] =	ssyncadd.s32 $0xFFFFFFFF  }
0xb7: {  	_ =	strace $0x90000048  }
0xb8: {  	_ =	sfence  }
0xb9: {  	s30 =	sld [smem:$0x0];
	_ =	sdelay $0x2  }
0xba: {  	s31 =	sshll.u32 s1, $0xD;
	s1 =	sshrl.u32 s1, $0x2  }
0xbb: {  	s3 =	sand.u32 $0x4000, s31;
	s1 =	sadd.s32 s1, s30  }
0xbc: {  	s0 =	sor.u32 s3, s0;
	s1 =	sshll.u32 s1, $0x11  }
0xbd: {  	s0 =	sor.u32 s1, s0  }
0xbe: {  	s0 =	sadd.s32 $0x8F2B, s0  }
0xbf: {  	[sflag:s0] =	ssyncadd.remote.s32 $0x1  }
0xc0: {  	_ =	sfence.sel $0xFFFF  }
0xc1: {  	[dreg:$0x0] =	wrdreg $0xFFFFFFFF;
	(pc) =	sbr.abs _section_cstart, $3  }
0xc2: {  	[dreg:$0x1] =	wrdreg $0xFFFFFFFF  }
0xc3: {  	_ =	task.clear_ibuf [dreg:s8], $0x2FFFF;
	_ =	strace $0x9FFFFFFF  }
0xc4: {  	(tm) =	ssettm $0x7FFFFFFF  }
0xc5: {  	_ =	shalt  }
tec
execute0_lowered:
.L_overlay_start_1:
0x0: {  	(tag) =	ssettag $0x1  }
0x1: {  	s0 =	rddreg [dreg:$0x0]  }
0x2: {  	s1 =	rddreg [dreg:$0x1]  }
0x3: {  	s2 =	rddreg [dreg:$0x2];
	s4 =	srdreg.scid  }
0x4: {  	s3 =	simm.s32 $0x0;
	s9 =	stileid.u32;
	s10 =	simm.s32 $0x3  }
0x5: {  	s11 =	simm.s32 $0x1000;
	s28 =	simm.s32 $0x9000;
	s29 =	simm.s32 $0x9800  }
0x6: {  	s30 =	simm.s32 $0xA000;
	s31 =	simm.s32 $0xA800;
	s12 =	simm.s32 $0xC000  }
0x7: {  	s13 =	simm.s32 $0xC800;
	s14 =	simm.s32 $0xD000;
	s15 =	simm.s32 $0xD800  }
0x8: {  	s16 =	simm.s32 $0xE000;
	s17 =	simm.s32 $0xE800;
	s18 =	simm.s32 $0xF000  }
0x9: {  	s19 =	simm.s32 $0xF800;
	s20 =	simm.s32 $0x10000;
	s21 =	simm.s32 $0x10800  }
0xa: {  	s22 =	simm.s32 $0x1;
	s4 =	sand.u32 $0x1, s4;
	s5 =	sshll.u32 s9, $0x9  }
0xb: {  	[smem:$0x7FF] =	sst s3;
	s25 =	sshll.u32 s9, $0x11;
	s6 =	sshll.u32 s4, $0xD  }
0xc: {  	s7 =	ssub.s32 $0x2, s4;
	_ =	strace $0x80000047;
	s24 =	sshll.u32 s4, $0x15  }
0xd: {  	s5 =	sor.u32 s5, s6;
	s23 =	sshrl.u32 s7, $0x1;
	s6 =	sadd.s32 $0x200, s1  }
.Ltmp0:
0xe: {  	s0 =	sadd.s32 s5, s0;
	s8 =	ssub.s32 s7, s23;
	(pc) =	sbr.rel .LBB2_1-.Ltmp0, $4  }
0xf: {  	s5 =	sadd.s32 $0x100, s1;
	s7 =	sadd.s32 $0x300, s1;
	s0 =	sadd.s32 $0x400, s0  }
0x10: {  	v2 =	vlaneseq.u32;
	s23 =	simm.s32 $0x2;
	s26 =	smax.u32 s8, $0x1;
	[dreg:$0x4] =	wrdreg s0  }
0x11: {  	vm0 =	vmmov $0xffff;
	v1 =	vshrl.u32 v2, $0x3;
	s8 =	simm.s32 $0x0;
	s0 =	sadd.s32 s24, s2;
	[dreg:$0x5] =	wrdreg s26  }
0x12: {  	v0 =	vand.u32 $0x7, v2;
	v2 =	vor.u32 $0x8, v2;
	v1 =	vmul.u32 $0x8, v1;
	s2 =	simm.s32 $0xB800;
	s9 =	sadd.s32 s25, s0;
	s0 =	simm.s32 $0xB000  }
.LBB2_6:
0x13: {  	s8 =	rddreg [dreg:$0x6]  }
0x14: {  	s4 =	rddreg [dreg:$0x5];
	s8 =	sadd.s32 $0x1, s8  }
0x15: {  	p0 =	sne.s32 s8, s4  }
.Ltmp1:
0x16: {  	_ = 	snop;
	(pc) =	sbr.rel @!p0 .LBB2_7-.Ltmp1, $1  }
0x17: {  	_ =	sdelay $0x3  }
.LBB2_1:
0x18: {  	[dreg:$0x6] =	wrdreg s8  }
0x19: {  	s4 =	rddreg [dreg:$0x4]  }
0x1a: {  	[tilespmem:s3], [sflag:$0x3] =	stream.linear.gather [hbm4b:s4+s3], $0x1000, $0x38;
	[tilespmem:$0x11000] =	vst v63  }
0x1b: {  	_ =	swait.ge [sflag:s10], $0x1000  }
0x1c: {  	[sflag:s10] =	ssyncset.done $0x0  }
0x1d: {  	s4 =	simm.s32 $0x0;
	[sflag:s10] =	ssyncadd.s32 $0xFFFFF000  }
0x1e: {  	s25 =	simm.s32 $0x200;
	v3 =	vld [tilespmem:s4+$0x0]  }
.LBB2_2:
0x1f: {  	p0 =	sne.s32 s25, $0x3E00;
	v4 =	vld [tilespmem:s4+$0x10];
	_ =	sdelay $0x1  }
.Ltmp2:
0x20: {  	(pc) =	sbr.rel @p0 .LBB2_2-.Ltmp2, $4  }
0x21: {  	_ = 	snop  }
0x22: {  	v3 =	vadd.s32 $0x2, v3  }
0x23: {  	s26 =	sshra.s32 s25, $0x2;
	[tilespmem:s4+$0x0] =	vst v3;
	v4 =	vadd.s32 $0x2, v4  }
0x24: {  	s25 =	sadd.s32 $0x200, s25;
	v3 =	vld [tilespmem:s26+$0x0];
	[tilespmem:s4+$0x10] =	vst v4;
	s4 =	smov.u32 s26  }
0x25: {  	v4 =	vld [tilespmem:s4+$0x10];
	_ =	sdelay $0x3  }
0x26: {  	v3 =	vadd.s32 $0x2, v3  }
0x27: {  	[tilespmem:s4+$0x0] =	vst v3;
	v3 =	vadd.s32 $0x2, v4  }
0x28: {  	[tilespmem:s4+$0x10] =	vst v3  }
0x29: {  	v3 =	vld [tilespmem:$0x0];
	_ =	sdelay $0x4  }
0x2a: {  	v60 =	vshll.u32 v3, $0x3  }
0x2b: {  	v3 =	vand.u32 $0x7, v3;
	v4 =	vand.u32 $0xFFFFFFC0, v60  }
0x2c: {  	v3 =	vor.u32 v3, v4  }
0x2d: {  	v4 =	vperm.xlane v3, v0;
	_ =	sdelay $0x1  }
0x2e: {  	v4 =	vadd.s32 v1, v4;
	_ =	sdelay $0x3  }
0x2f: {  	s25 =	simm.s32 $0x0  }
0x30: {  	[tilespmem:s11], [sflag:$0x1] =	stream.indirect_vreg.gather [hbm4b:s1+s25], $0x80, v4, vm0, $0xb8;
	[tilespmem:$0x11000] =	vst v63  }
0x31: {  	s8 =	simm.s32 $0x1800;
	v3 =	vperm.xlane v3, v2  }
0x32: {  	[tilespmem:s8], [sflag:$0x1] =	stream.indirect_vreg.gather [hbm4b:s5+s25], $0x80, v4, vm0, $0xb8;
	[tilespmem:$0x11000] =	vst v63  }
0x33: {  	s24 =	simm.s32 $0x2000;
	v3 =	vadd.s32 v1, v3  }
0x34: {  	[tilespmem:s24], [sflag:$0x1] =	stream.indirect_vreg.gather [hbm4b:s6+s25], $0x80, v4, vm0, $0xb8;
	[tilespmem:$0x11000] =	vst v63  }
0x35: {  	s26 =	simm.s32 $0x2800  }
0x36: {  	[tilespmem:s26], [sflag:$0x1] =	stream.indirect_vreg.gather [hbm4b:s7+s25], $0x80, v4, vm0, $0xb8;
	[tilespmem:$0x11000] =	vst v63  }
0x37: {  	s8 =	simm.s32 $0x3000  }
0x38: {  	[tilespmem:s8], [sflag:$0x1] =	stream.indirect_vreg.gather [hbm4b:s1+s25], $0x80, v3, vm0, $0xb8;
	[tilespmem:$0x11000] =	vst v63  }
0x39: {  	s24 =	simm.s32 $0x3800  }
0x3a: {  	[tilespmem:s24], [sflag:$0x1] =	stream.indirect_vreg.gather [hbm4b:s5+s25], $0x80, v3, vm0, $0xb8;
	[tilespmem:$0x11000] =	vst v63  }
0x3b: {  	s26 =	simm.s32 $0x4000  }
0x3c: {  	[tilespmem:s26], [sflag:$0x1] =	stream.indirect_vreg.gather [hbm4b:s6+s25], $0x80, v3, vm0, $0xb8;
	[tilespmem:$0x11000] =	vst v63  }
0x3d: {  	s8 =	simm.s32 $0x4800  }
0x3e: {  	[tilespmem:s8], [sflag:$0x1] =	stream.indirect_vreg.gather [hbm4b:s7+s25], $0x80, v3, vm0, $0xb8;
	[tilespmem:$0x11000] =	vst v63  }
0x3f: {  	v3 =	vld [tilespmem:$0x10];
	_ =	sdelay $0x4  }
0x40: {  	v61 =	vshll.u32 v3, $0x3  }
0x41: {  	v3 =	vand.u32 $0x7, v3;
	v4 =	vand.u32 $0xFFFFFFC0, v61  }
0x42: {  	v3 =	vor.u32 v3, v4  }
0x43: {  	v4 =	vperm.xlane v3, v0;
	_ =	sdelay $0x1  }
0x44: {  	v4 =	vadd.s32 v1, v4;
	_ =	sdelay $0x3  }
0x45: {  	s24 =	simm.s32 $0x5000  }
0x46: {  	[tilespmem:s24], [sflag:$0x1] =	stream.indirect_vreg.gather [hbm4b:s1+s25], $0x80, v4, vm0, $0xb8;
	[tilespmem:$0x11000] =	vst v63  }
0x47: {  	s26 =	simm.s32 $0x5800;
	v3 =	vperm.xlane v3, v2  }
0x48: {  	[tilespmem:s26], [sflag:$0x1] =	stream.indirect_vreg.gather [hbm4b:s5+s25], $0x80, v4, vm0, $0xb8;
	[tilespmem:$0x11000] =	vst v63  }
0x49: {  	s8 =	simm.s32 $0x6000;
	v3 =	vadd.s32 v1, v3  }
0x4a: {  	[tilespmem:s8], [sflag:$0x1] =	stream.indirect_vreg.gather [hbm4b:s6+s25], $0x80, v4, vm0, $0xb8;
	[tilespmem:$0x11000] =	vst v63  }
0x4b: {  	s24 =	simm.s32 $0x6800  }
0x4c: {  	[tilespmem:s24], [sflag:$0x1] =	stream.indirect_vreg.gather [hbm4b:s7+s25], $0x80, v4, vm0, $0xb8;
	[tilespmem:$0x11000] =	vst v63  }
0x4d: {  	s26 =	simm.s32 $0x7000  }
0x4e: {  	[tilespmem:s26], [sflag:$0x1] =	stream.indirect_vreg.gather [hbm4b:s1+s25], $0x80, v3, vm0, $0xb8;
	[tilespmem:$0x11000] =	vst v63  }
0x4f: {  	s8 =	simm.s32 $0x7800  }
0x50: {  	[tilespmem:s8], [sflag:$0x1] =	stream.indirect_vreg.gather [hbm4b:s5+s25], $0x80, v3, vm0, $0xb8;
	[tilespmem:$0x11000] =	vst v63  }
0x51: {  	s24 =	simm.s32 $0x8000  }
0x52: {  	[tilespmem:s24], [sflag:$0x1] =	stream.indirect_vreg.gather [hbm4b:s6+s25], $0x80, v3, vm0, $0xb8;
	[tilespmem:$0x11000] =	vst v63  }
0x53: {  	s26 =	simm.s32 $0x8800  }
0x54: {  	[tilespmem:s26], [sflag:$0x1] =	stream.indirect_vreg.gather [hbm4b:s7+s25], $0x80, v3, vm0, $0xb8;
	[tilespmem:$0x11000] =	vst v63  }
0x55: {  	v3 =	vld [tilespmem:$0x80];
	_ =	sdelay $0x4  }
0x56: {  	v62 =	vshll.u32 v3, $0x3  }
0x57: {  	v3 =	vand.u32 $0x7, v3;
	v4 =	vand.u32 $0xFFFFFFC0, v62  }
0x58: {  	v3 =	vor.u32 v3, v4  }
0x59: {  	v4 =	vperm.xlane v3, v0;
	_ =	sdelay $0x1  }
0x5a: {  	v4 =	vadd.s32 v1, v4;
	_ =	sdelay $0x4  }
0x5b: {  	[tilespmem:s28], [sflag:$0x2] =	stream.indirect_vreg.gather [hbm4b:s1+s25], $0x80, v4, vm0, $0xb8;
	[tilespmem:$0x11000] =	vst v63  }
0x5c: {  	v3 =	vperm.xlane v3, v2  }
0x5d: {  	[tilespmem:s29], [sflag:$0x2] =	stream.indirect_vreg.gather [hbm4b:s5+s25], $0x80, v4, vm0, $0xb8;
	[tilespmem:$0x11000] =	vst v63  }
0x5e: {  	v3 =	vadd.s32 v1, v3  }
0x5f: {  	[tilespmem:s30], [sflag:$0x2] =	stream.indirect_vreg.gather [hbm4b:s6+s25], $0x80, v4, vm0, $0xb8;
	[tilespmem:$0x11000] =	vst v63  }
0x60: {  	_ = 	snop  }
0x61: {  	[tilespmem:s31], [sflag:$0x2] =	stream.indirect_vreg.gather [hbm4b:s7+s25], $0x80, v4, vm0, $0xb8;
	[tilespmem:$0x11000] =	vst v63  }
0x62: {  	_ = 	snop  }
0x63: {  	[tilespmem:s0], [sflag:$0x2] =	stream.indirect_vreg.gather [hbm4b:s1+s25], $0x80, v3, vm0, $0xb8;
	[tilespmem:$0x11000] =	vst v63  }
0x64: {  	_ = 	snop  }
0x65: {  	[tilespmem:s2], [sflag:$0x2] =	stream.indirect_vreg.gather [hbm4b:s5+s25], $0x80, v3, vm0, $0xb8;
	[tilespmem:$0x11000] =	vst v63  }
0x66: {  	_ = 	snop  }
0x67: {  	[tilespmem:s12], [sflag:$0x2] =	stream.indirect_vreg.gather [hbm4b:s6+s25], $0x80, v3, vm0, $0xb8;
	[tilespmem:$0x11000] =	vst v63  }
0x68: {  	_ = 	snop  }
0x69: {  	[tilespmem:s13], [sflag:$0x2] =	stream.indirect_vreg.gather [hbm4b:s7+s25], $0x80, v3, vm0, $0xb8;
	[tilespmem:$0x11000] =	vst v63  }
0x6a: {  	v3 =	vld [tilespmem:$0x90];
	_ =	sdelay $0x4  }
0x6b: {  	v63 =	vshll.u32 v3, $0x3  }
0x6c: {  	v3 =	vand.u32 $0x7, v3;
	v4 =	vand.u32 $0xFFFFFFC0, v63  }
0x6d: {  	v3 =	vor.u32 v3, v4  }
0x6e: {  	v4 =	vperm.xlane v3, v0;
	_ =	sdelay $0x1  }
0x6f: {  	v4 =	vadd.s32 v1, v4;
	_ =	sdelay $0x4  }
0x70: {  	[tilespmem:s14], [sflag:$0x2] =	stream.indirect_vreg.gather [hbm4b:s1+s25], $0x80, v4, vm0, $0xb8;
	[tilespmem:$0x11000] =	vst v63  }
0x71: {  	v3 =	vperm.xlane v3, v2  }
0x72: {  	[tilespmem:s15], [sflag:$0x2] =	stream.indirect_vreg.gather [hbm4b:s5+s25], $0x80, v4, vm0, $0xb8;
	[tilespmem:$0x11000] =	vst v63  }
0x73: {  	v3 =	vadd.s32 v1, v3  }
0x74: {  	[tilespmem:s16], [sflag:$0x2] =	stream.indirect_vreg.gather [hbm4b:s6+s25], $0x80, v4, vm0, $0xb8;
	[tilespmem:$0x11000] =	vst v63  }
0x75: {  	_ = 	snop  }
0x76: {  	[tilespmem:s17], [sflag:$0x2] =	stream.indirect_vreg.gather [hbm4b:s7+s25], $0x80, v4, vm0, $0xb8;
	[tilespmem:$0x11000] =	vst v63  }
0x77: {  	_ = 	snop  }
0x78: {  	[tilespmem:s18], [sflag:$0x2] =	stream.indirect_vreg.gather [hbm4b:s1+s25], $0x80, v3, vm0, $0xb8;
	[tilespmem:$0x11000] =	vst v63  }
0x79: {  	_ = 	snop  }
0x7a: {  	[tilespmem:s19], [sflag:$0x2] =	stream.indirect_vreg.gather [hbm4b:s5+s25], $0x80, v3, vm0, $0xb8;
	[tilespmem:$0x11000] =	vst v63  }
0x7b: {  	_ = 	snop  }
0x7c: {  	[tilespmem:s20], [sflag:$0x2] =	stream.indirect_vreg.gather [hbm4b:s6+s25], $0x80, v3, vm0, $0xb8;
	[tilespmem:$0x11000] =	vst v63  }
0x7d: {  	s26 =	simm.s32 $0x190  }
0x7e: {  	[tilespmem:s21], [sflag:$0x2] =	stream.indirect_vreg.gather [hbm4b:s7+s25], $0x80, v3, vm0, $0xb8;
	[tilespmem:$0x11000] =	vst v63  }
.LBB2_4:
0x7f: {  	_ =	swait.ge [sflag:s22], $0x8000  }
0x80: {  	[sflag:s22] =	ssyncset.done $0x0  }
0x81: {  	s4 =	sadd.s32 s25, s9;
	[sflag:s22] =	ssyncadd.s32 $0xFFFF8000  }
0x82: {  	[hbm4b:s4+s3] =	stream.linear.scatter [tilespmem:s11], [sflag:$0x3], $0x8000, $0x38;
	[tilespmem:$0x11000] =	vst v63  }
0x83: {  	_ =	swait.ge [sflag:s10], $0x8000  }
0x84: {  	[sflag:s10] =	ssyncset.done $0x0  }
0x85: {  	p0 =	seq.s32 s25, $0x1E000;
	[sflag:s10] =	ssyncadd.s32 $0xFFFF8000  }
0x86: {  	v3 =	vld @!p0 [tilespmem:s26+$0xFFFFFF70];
	_ =	sdelay $0x4  }
0x87: {  	v4 =	vshll.u32 @!p0 v3, $0x3  }
0x88: {  	v5 =	vlaneseq.u32 @!p0;
	v3 =	vand.u32 @!p0 $0x7, v3;
	v4 =	vand.u32 @!p0 $0xFFFFFFC0, v4  }
0x89: {  	v6 =	vshrl.u32 @!p0 v5, $0x3;
	v3 =	vor.u32 @!p0 v3, v4;
	v4 =	vand.u32 @!p0 $0x7, v5  }
0x8a: {  	v6 =	vmul.u32 @!p0 $0x8, v6;
	v7 =	vperm.xlane @!p0 v3, v4;
	_ =	sdelay $0x1  }
0x8b: {  	v7 =	vadd.s32 @!p0 v6, v7;
	_ =	sdelay $0x3  }
0x8c: {  	vm1 =	vmmov @!p0 $0xffff;
	s8 =	simm.s32 @!p0 $0x0;
	s24 =	simm.s32 @!p0 $0x1000  }
0x8d: {  	v5 =	vor.u32 @!p0 $0x8, v5;
	[tilespmem:s24], [sflag:$0x1] =	stream.indirect_vreg.gather @!p0 [hbm4b:s1+s8], $0x80, v7, vm1, $0xb8;
	[tilespmem:$0x11000] =	vst v63  }
0x8e: {  	v3 =	vperm.xlane @!p0 v3, v5;
	s24 =	simm.s32 @!p0 $0x1800  }
0x8f: {  	[tilespmem:s24], [sflag:$0x1] =	stream.indirect_vreg.gather @!p0 [hbm4b:s5+s8], $0x80, v7, vm1, $0xb8;
	[tilespmem:$0x11000] =	vst v63  }
0x90: {  	v3 =	vadd.s32 @!p0 v6, v3;
	s24 =	simm.s32 @!p0 $0x2000  }
0x91: {  	[tilespmem:s24], [sflag:$0x1] =	stream.indirect_vreg.gather @!p0 [hbm4b:s6+s8], $0x80, v7, vm1, $0xb8;
	[tilespmem:$0x11000] =	vst v63  }
0x92: {  	s24 =	simm.s32 @!p0 $0x2800  }
0x93: {  	[tilespmem:s24], [sflag:$0x1] =	stream.indirect_vreg.gather @!p0 [hbm4b:s7+s8], $0x80, v7, vm1, $0xb8;
	[tilespmem:$0x11000] =	vst v63  }
0x94: {  	s24 =	simm.s32 @!p0 $0x3000  }
0x95: {  	[tilespmem:s24], [sflag:$0x1] =	stream.indirect_vreg.gather @!p0 [hbm4b:s1+s8], $0x80, v3, vm1, $0xb8;
	[tilespmem:$0x11000] =	vst v63  }
0x96: {  	s24 =	simm.s32 @!p0 $0x3800  }
0x97: {  	[tilespmem:s24], [sflag:$0x1] =	stream.indirect_vreg.gather @!p0 [hbm4b:s5+s8], $0x80, v3, vm1, $0xb8;
	[tilespmem:$0x11000] =	vst v63  }
0x98: {  	s24 =	simm.s32 @!p0 $0x4000  }
0x99: {  	[tilespmem:s24], [sflag:$0x1] =	stream.indirect_vreg.gather @!p0 [hbm4b:s6+s8], $0x80, v3, vm1, $0xb8;
	[tilespmem:$0x11000] =	vst v63  }
0x9a: {  	s24 =	simm.s32 @!p0 $0x4800  }
0x9b: {  	[tilespmem:s24], [sflag:$0x1] =	stream.indirect_vreg.gather @!p0 [hbm4b:s7+s8], $0x80, v3, vm1, $0xb8;
	[tilespmem:$0x11000] =	vst v63  }
0x9c: {  	v3 =	vld @!p0 [tilespmem:s26+$0xFFFFFF80];
	_ =	sdelay $0x4  }
0x9d: {  	v7 =	vshll.u32 @!p0 v3, $0x3  }
0x9e: {  	v3 =	vand.u32 @!p0 $0x7, v3;
	v7 =	vand.u32 @!p0 $0xFFFFFFC0, v7  }
0x9f: {  	v3 =	vor.u32 @!p0 v3, v7  }
0xa0: {  	v4 =	vperm.xlane @!p0 v3, v4;
	_ =	sdelay $0x1  }
0xa1: {  	v4 =	vadd.s32 @!p0 v6, v4;
	_ =	sdelay $0x3  }
0xa2: {  	s24 =	simm.s32 @!p0 $0x5000  }
0xa3: {  	[tilespmem:s24], [sflag:$0x1] =	stream.indirect_vreg.gather @!p0 [hbm4b:s1+s8], $0x80, v4, vm1, $0xb8;
	[tilespmem:$0x11000] =	vst v63  }
0xa4: {  	v3 =	vperm.xlane @!p0 v3, v5;
	s24 =	simm.s32 @!p0 $0x5800  }
0xa5: {  	[tilespmem:s24], [sflag:$0x1] =	stream.indirect_vreg.gather @!p0 [hbm4b:s5+s8], $0x80, v4, vm1, $0xb8;
	[tilespmem:$0x11000] =	vst v63  }
0xa6: {  	v3 =	vadd.s32 @!p0 v6, v3;
	s24 =	simm.s32 @!p0 $0x6000  }
0xa7: {  	[tilespmem:s24], [sflag:$0x1] =	stream.indirect_vreg.gather @!p0 [hbm4b:s6+s8], $0x80, v4, vm1, $0xb8;
	[tilespmem:$0x11000] =	vst v63  }
0xa8: {  	s24 =	simm.s32 @!p0 $0x6800  }
0xa9: {  	[tilespmem:s24], [sflag:$0x1] =	stream.indirect_vreg.gather @!p0 [hbm4b:s7+s8], $0x80, v4, vm1, $0xb8;
	[tilespmem:$0x11000] =	vst v63  }
0xaa: {  	s24 =	simm.s32 @!p0 $0x7000  }
0xab: {  	[tilespmem:s24], [sflag:$0x1] =	stream.indirect_vreg.gather @!p0 [hbm4b:s1+s8], $0x80, v3, vm1, $0xb8;
	[tilespmem:$0x11000] =	vst v63  }
0xac: {  	s24 =	simm.s32 @!p0 $0x7800  }
0xad: {  	[tilespmem:s24], [sflag:$0x1] =	stream.indirect_vreg.gather @!p0 [hbm4b:s5+s8], $0x80, v3, vm1, $0xb8;
	[tilespmem:$0x11000] =	vst v63  }
0xae: {  	s24 =	simm.s32 @!p0 $0x8000  }
0xaf: {  	[tilespmem:s24], [sflag:$0x1] =	stream.indirect_vreg.gather @!p0 [hbm4b:s6+s8], $0x80, v3, vm1, $0xb8;
	[tilespmem:$0x11000] =	vst v63  }
0xb0: {  	s24 =	simm.s32 @!p0 $0x8800  }
0xb1: {  	[tilespmem:s24], [sflag:$0x1] =	stream.indirect_vreg.gather @!p0 [hbm4b:s7+s8], $0x80, v3, vm1, $0xb8;
	[tilespmem:$0x11000] =	vst v63  }
0xb2: {  	_ =	swait.ge [sflag:s23], $0x8000  }
0xb3: {  	[sflag:s23] =	ssyncset.done $0x0  }
.Ltmp3:
0xb4: {  	s4 =	sadd.s32 $0x1000, s4;
	[sflag:s23] =	ssyncadd.s32 $0xFFFF8000;
	(pc) =	sbr.rel @p0 .LBB2_6-.Ltmp3, $4  }
0xb5: {  	[hbm4b:s4+s3] =	stream.linear.scatter [tilespmem:s28], [sflag:$0x3], $0x8000, $0x38;
	[tilespmem:$0x11000] =	vst v63  }
0xb6: {  	_ =	swait.ge [sflag:s10], $0x8000  }
0xb7: {  	[sflag:s10] =	ssyncset.done $0x0  }
0xb8: {  	[sflag:s10] =	ssyncadd.s32 $0xFFFF8000  }
0xb9: {  	v3 =	vld [tilespmem:s26+$0xFFFFFFF0];
	_ =	sdelay $0x4  }
0xba: {  	v4 =	vshll.u32 v3, $0x3  }
0xbb: {  	v3 =	vand.u32 $0x7, v3;
	v4 =	vand.u32 $0xFFFFFFC0, v4  }
0xbc: {  	v3 =	vor.u32 v3, v4  }
0xbd: {  	v4 =	vperm.xlane v3, v0;
	_ =	sdelay $0x1  }
0xbe: {  	v4 =	vadd.s32 v1, v4;
	_ =	sdelay $0x4  }
0xbf: {  	[tilespmem:s28], [sflag:$0x2] =	stream.indirect_vreg.gather [hbm4b:s1+s3], $0x80, v4, vm0, $0xb8;
	[tilespmem:$0x11000] =	vst v63  }
0xc0: {  	v3 =	vperm.xlane v3, v2  }
0xc1: {  	[tilespmem:s29], [sflag:$0x2] =	stream.indirect_vreg.gather [hbm4b:s5+s3], $0x80, v4, vm0, $0xb8;
	[tilespmem:$0x11000] =	vst v63  }
0xc2: {  	v3 =	vadd.s32 v1, v3  }
0xc3: {  	[tilespmem:s30], [sflag:$0x2] =	stream.indirect_vreg.gather [hbm4b:s6+s3], $0x80, v4, vm0, $0xb8;
	[tilespmem:$0x11000] =	vst v63  }
0xc4: {  	_ = 	snop  }
0xc5: {  	[tilespmem:s31], [sflag:$0x2] =	stream.indirect_vreg.gather [hbm4b:s7+s3], $0x80, v4, vm0, $0xb8;
	[tilespmem:$0x11000] =	vst v63  }
0xc6: {  	_ = 	snop  }
0xc7: {  	[tilespmem:s0], [sflag:$0x2] =	stream.indirect_vreg.gather [hbm4b:s1+s3], $0x80, v3, vm0, $0xb8;
	[tilespmem:$0x11000] =	vst v63  }
0xc8: {  	_ = 	snop  }
0xc9: {  	[tilespmem:s2], [sflag:$0x2] =	stream.indirect_vreg.gather [hbm4b:s5+s3], $0x80, v3, vm0, $0xb8;
	[tilespmem:$0x11000] =	vst v63  }
0xca: {  	_ = 	snop  }
0xcb: {  	[tilespmem:s12], [sflag:$0x2] =	stream.indirect_vreg.gather [hbm4b:s6+s3], $0x80, v3, vm0, $0xb8;
	[tilespmem:$0x11000] =	vst v63  }
0xcc: {  	_ = 	snop  }
0xcd: {  	[tilespmem:s13], [sflag:$0x2] =	stream.indirect_vreg.gather [hbm4b:s7+s3], $0x80, v3, vm0, $0xb8;
	[tilespmem:$0x11000] =	vst v63  }
0xce: {  	v3 =	vld [tilespmem:s26+$0x0];
	_ =	sdelay $0x4  }
0xcf: {  	v63 =	vshll.u32 v3, $0x3  }
0xd0: {  	v3 =	vand.u32 $0x7, v3;
	v4 =	vand.u32 $0xFFFFFFC0, v63  }
0xd1: {  	v3 =	vor.u32 v3, v4  }
0xd2: {  	v4 =	vperm.xlane v3, v0;
	_ =	sdelay $0x1  }
0xd3: {  	v4 =	vadd.s32 v1, v4;
	_ =	sdelay $0x4  }
0xd4: {  	[tilespmem:s14], [sflag:$0x2] =	stream.indirect_vreg.gather [hbm4b:s1+s3], $0x80, v4, vm0, $0xb8;
	[tilespmem:$0x11000] =	vst v63  }
0xd5: {  	v3 =	vperm.xlane v3, v2  }
0xd6: {  	[tilespmem:s15], [sflag:$0x2] =	stream.indirect_vreg.gather [hbm4b:s5+s3], $0x80, v4, vm0, $0xb8;
	[tilespmem:$0x11000] =	vst v63  }
0xd7: {  	v3 =	vadd.s32 v1, v3  }
0xd8: {  	[tilespmem:s16], [sflag:$0x2] =	stream.indirect_vreg.gather [hbm4b:s6+s3], $0x80, v4, vm0, $0xb8;
	[tilespmem:$0x11000] =	vst v63  }
0xd9: {  	_ = 	snop  }
0xda: {  	[tilespmem:s17], [sflag:$0x2] =	stream.indirect_vreg.gather [hbm4b:s7+s3], $0x80, v4, vm0, $0xb8;
	[tilespmem:$0x11000] =	vst v63  }
0xdb: {  	_ = 	snop  }
0xdc: {  	[tilespmem:s18], [sflag:$0x2] =	stream.indirect_vreg.gather [hbm4b:s1+s3], $0x80, v3, vm0, $0xb8;
	[tilespmem:$0x11000] =	vst v63  }
0xdd: {  	_ = 	snop  }
0xde: {  	[tilespmem:s19], [sflag:$0x2] =	stream.indirect_vreg.gather [hbm4b:s5+s3], $0x80, v3, vm0, $0xb8;
	[tilespmem:$0x11000] =	vst v63  }
.Ltmp4:
0xdf: {  	_ = 	snop;
	(pc) =	sbr.rel .LBB2_4-.Ltmp4, $4  }
0xe0: {  	_ = 	snop  }
0xe1: {  	[tilespmem:s20], [sflag:$0x2] =	stream.indirect_vreg.gather [hbm4b:s6+s3], $0x80, v3, vm0, $0xb8;
	[tilespmem:$0x11000] =	vst v63  }
0xe2: {  	s25 =	sadd.s32 $0x2000, s25;
	s26 =	sadd.s32 $0x100, s26  }
0xe3: {  	[tilespmem:s21], [sflag:$0x2] =	stream.indirect_vreg.gather [hbm4b:s7+s3], $0x80, v3, vm0, $0xb8;
	[tilespmem:$0x11000] =	vst v63  }
.LBB2_7:
0xe4: {  	_ =	sfence.sel $0x180000  }
0xe5: {  	[bflag:$0x0] =	sbarrier.arrive $0xFFFF  }
0xe6: {  	_ =	strace $0x90000047  }
0xe7: {  	s0 =	stileid.u32;
	[bflag:$0x2] =	sbarrier.arrive $0xFFFF  }
0xe8: {  	p0 =	sne.s32 s0, $0x0;
	s0 =	rddreg [dreg:$0x3]  }
0xe9: {  	s0 =	sadd.s32 @!p0 $0x100000, s0  }
0xea: {  	[sflag:s0] =	ssyncadd.tile.s32 @!p0 $0x1;
	_ =	shalt  }
.Lfunc_end2:
_tile_overlayer_lowered:
.L_overlay_start_2:
0xeb: {  	(tag) =	ssettag $0x2  }
0xec: {  	s0 =	rddreg [dreg:$0x0];
	s2 =	stileid.u32  }
0xed: {  	s1 =	rddreg [dreg:$0x1];
	p0 =	sne.s32 s2, $0x0  }
0xee: {  	s3 =	rddreg [dreg:$0x2];
	[bflag:$0x3] =	sbarrier.arrive $0xFFFF;
	s2 =	simm.s32 @!p0 $0x1C03  }
0xef: {  	[timem:s3], [sflag:s2] =	dma.local @!p0 [hbm:s0], s1  }
0xf0: {  	s0 =	simm.s32 @!p0 $0x3  }
0xf1: {  	_ =	swait.ge @!p0 [sflag:s0], s1  }
0xf2: {  	s1 =	ssub.s32 @!p0 $0x0, s1;
	[sflag:s0] =	ssyncset.done @!p0 $0x0  }
0xf3: {  	[sflag:s0] =	ssyncadd.s32 @!p0 s1  }
0xf4: {  	[bflag:$0x3] =	sbarrier.arrive $0xFFFF  }
0xf5: {  	_ =	shalt  }

</sc_bundles>
